<compile_context>
chip_gen: v7x
topology: tpu7x:2x2x1
jax: 0.10.2.dev20260603
libtpu: 0.0.44.dev20260713+nightly
codegen_flags: <defaults>
</compile_context>

<pallas_src>
import jax
import jax.numpy as jnp
from jax import lax
from jax.experimental import pallas as pl
from jax.experimental.pallas import tpu as pltpu, tpu_sc as plsc

_BATCH = 4096
_IN = 2048
_SH = 256
_PW = 128
_NP = 16
_ND = 64
_BE = 1024
_BR = 512

_info = plsc.get_sparse_core_info()
_NC, _NS = 1, _info.num_subcores
_NW = _NC * _NS
_BPW = _BATCH // _NW


def _sc_body(drug_hbm, tab_hbm, wd_out, idx_v, rows_v, sem):
    wid = lax.axis_index("s") * _NC + lax.axis_index("c")
    base = wid * _BPW
    pltpu.sync_copy(drug_hbm.at[pl.ds(base, _BPW)], idx_v)
    pltpu.async_copy(tab_hbm.at[idx_v], rows_v, sem).wait()
    pltpu.sync_copy(rows_v, wd_out.at[pl.ds(base, _BPW)])


def _sc_gather(drug_indices, table):
    mesh = plsc.VectorSubcoreMesh(core_axis_name="c", subcore_axis_name="s",
                                  num_cores=_NC)
    k = pl.kernel(
        _sc_body,
        out_type=jax.ShapeDtypeStruct((_BATCH, _PW), jnp.float32),
        mesh=mesh,
        scratch_types=[
            pltpu.VMEM((_BPW,), jnp.int32),
            pltpu.VMEM((_BPW, _PW), jnp.float32),
            pltpu.SemaphoreType.DMA,
        ],
    )
    return k(drug_indices, table)


def _enc_body(x_ref, ws_ref, bs_ref, h_ref):
    xb = x_ref[...].astype(jnp.bfloat16)
    h = jnp.maximum(
        jnp.dot(xb, ws_ref[...], preferred_element_type=jnp.float32)
        + bs_ref[...], 0.0)
    h_ref[...] = h.astype(jnp.bfloat16)


def _route_body(h_ref, drug_ref, wp_ref, bp_ref, wd_ref, bdr_ref, o_ref):
    z = jnp.dot(h_ref[...], wp_ref[...],
                preferred_element_type=jnp.float32) + bp_ref[...]
    a = jnp.maximum(z, 0.0)
    drug = drug_ref[...]
    pw = drug % _NP
    oh = (drug == jax.lax.broadcasted_iota(jnp.int32, (_BR, _ND), 1)
          ).astype(jnp.float32)
    bd = jnp.dot(oh, bdr_ref[...], preferred_element_type=jnp.float32)
    colp = jax.lax.broadcasted_iota(jnp.int32, (_BR, _NP * _PW), 1) // _PW
    wd_t = jnp.concatenate([wd_ref[...]] * _NP, axis=1)
    mw = jnp.where(colp == pw, wd_t, 0.0)
    acc = jnp.sum(a * mw, axis=1, keepdims=True) + bd
    o_ref[...] = acc.reshape(_BR)


def kernel(x, drug_indices, W_shared, b_shared, W_pw, b_pw, W_drug, b_drug):
    wd = _sc_gather(drug_indices, W_drug)

    ws16 = W_shared.astype(jnp.bfloat16)
    wp16 = jnp.transpose(W_pw, (1, 0, 2)).reshape(_SH, _NP * _PW).astype(
        jnp.bfloat16)
    bp_flat = b_pw.reshape(1, _NP * _PW)
    drug2d = drug_indices.reshape(_BATCH, 1)
    bs2d = b_shared.reshape(1, _SH)
    bdr2d = b_drug.reshape(_ND, 1)

    h = pl.pallas_call(
        _enc_body,
        grid=(_BATCH // _BE,),
        in_specs=[
            pl.BlockSpec((_BE, _IN), lambda i: (i, 0)),
            pl.BlockSpec((_IN, _SH), lambda i: (0, 0)),
            pl.BlockSpec((1, _SH), lambda i: (0, 0)),
        ],
        out_specs=pl.BlockSpec((_BE, _SH), lambda i: (i, 0)),
        out_shape=jax.ShapeDtypeStruct((_BATCH, _SH), jnp.bfloat16),
    )(x, ws16, bs2d)

    out = pl.pallas_call(
        _route_body,
        grid=(_BATCH // _BR,),
        in_specs=[
            pl.BlockSpec((_BR, _SH), lambda i: (i, 0)),
            pl.BlockSpec((_BR, 1), lambda i: (i, 0)),
            pl.BlockSpec((_SH, _NP * _PW), lambda i: (0, 0)),
            pl.BlockSpec((1, _NP * _PW), lambda i: (0, 0)),
            pl.BlockSpec((_BR, _PW), lambda i: (i, 0)),
            pl.BlockSpec((_ND, 1), lambda i: (0, 0)),
        ],
        out_specs=pl.BlockSpec((_BR,), lambda i: (i,)),
        out_shape=jax.ShapeDtypeStruct((_BATCH,), jnp.float32),
    )(h, drug2d, wp16, bp_flat, wd, bdr2d)
    return out

# --- scband reference (transcript-rebuilt; emitter-appended) ---
"""Pipeline reference for scband-multi-task-drug-nn-47691316855323 (READ-ONLY COPY).

The authoritative reference and input builder live on the scoring server;
editing this copy changes nothing except your own understanding.
"""

import jax, jax.numpy as jnp
import numpy as np

BATCH = 4096
INPUT_DIM = 2048
SHARED_DIM = 256
PATHWAY_DIM = 128
N_PATHWAYS = 16
N_DRUGS = 64


def setup_inputs(seed: int = 0) -> dict:
    key = jax.random.key(seed)
    ks = jax.random.split(key, 8)
    x = jax.random.normal(ks[0], (BATCH, INPUT_DIM), dtype=jnp.float32)
    drug_indices = jax.random.randint(ks[1], (BATCH,), 0, N_DRUGS, dtype=jnp.int32)
    W_shared = jax.random.normal(ks[2], (INPUT_DIM, SHARED_DIM), dtype=jnp.float32) * (1.0 / np.sqrt(INPUT_DIM))
    b_shared = jnp.zeros((SHARED_DIM,), dtype=jnp.float32)
    W_pw = jax.random.normal(ks[3], (N_PATHWAYS, SHARED_DIM, PATHWAY_DIM), dtype=jnp.float32) * (1.0 / np.sqrt(SHARED_DIM))
    b_pw = jnp.zeros((N_PATHWAYS, PATHWAY_DIM), dtype=jnp.float32)
    W_drug = jax.random.normal(ks[4], (N_DRUGS, PATHWAY_DIM), dtype=jnp.float32) * (1.0 / np.sqrt(PATHWAY_DIM))
    b_drug = jnp.zeros((N_DRUGS,), dtype=jnp.float32)
    return {"x": x, "drug_indices": drug_indices, "W_shared": W_shared, "b_shared": b_shared,
            "W_pw": W_pw, "b_pw": b_pw, "W_drug": W_drug, "b_drug": b_drug}


def reference(x, drug_indices, W_shared, b_shared, W_pw, b_pw, W_drug, b_drug):
    # Static drug -> pathway routing table; in the torch module drug i maps to pathway i % N_PATHWAYS
    pw_map = jnp.arange(N_DRUGS, dtype=jnp.int32) % N_PATHWAYS
    # Shared encoder (dropout is identity in eval mode)
    h = jax.nn.relu(x @ W_shared + b_shared)
    # Route each sample to its pathway expert. The torch loop groups samples by pathway,
    # runs pathway_layers[pw] on each group, then applies the per-sample drug head and
    # scatters results back by global index. Gathering per-sample expert weights computes
    # exactly the same math.
    pw_per_sample = pw_map[drug_indices]
    Wp = jnp.take(W_pw, pw_per_sample, axis=0)   # [B, SHARED_DIM, PATHWAY_DIM] gathered expert weights
    bp = jnp.take(b_pw, pw_per_sample, axis=0)   # [B, PATHWAY_DIM]
    pw_out = jax.nn.relu(jnp.einsum('bd,bdh->bh', h, Wp) + bp)
    # Per-sample drug head: Linear(PATHWAY_DIM, 1) gathered by drug index
    wd = jnp.take(W_drug, drug_indices, axis=0)  # [B, PATHWAY_DIM]
    bd = jnp.take(b_drug, drug_indices, axis=0)  # [B]
    out = jnp.sum(pw_out * wd, axis=1) + bd      # equivalent to scatter outputs[global_i] = head(pw_out[i])
    return out

if __name__ == "__main__":
    import jax
    _d = setup_inputs()
    print(jax.jit(kernel)(*tuple(_d.values())))

</pallas_src>

<mosaic_0001>
#map = affine_map<(d0, d1) -> (0)>
#map1 = affine_map<(d0, d1) -> (0, 0)>
module attributes {stable_mosaic.version = 14 : i64} {
  func.func @_sc_body(%arg0: i32, %arg1: i32, %arg2: memref<4096xi32, #tpu.memory_space<hbm>>, %arg3: memref<64x128xf32, #tpu.memory_space<hbm>>, %arg4: memref<4096x128xf32, #tpu.memory_space<hbm>>, %arg5: memref<256xi32, #tpu.memory_space<vmem>>, %arg6: memref<256x128xf32, #tpu.memory_space<vmem>>, %arg7: memref<!tpu.dma_semaphore, #tpu.memory_space<semaphore_mem>>) attributes {dimension_semantics = [#tpu.dimension_semantics<core_parallel>, #tpu.dimension_semantics<subcore_parallel>], iteration_bounds = array<i64: 1, 16>, scalar_prefetch = 0 : i64, scratch_operands = 3 : i64, tpu.core_type = #tpu.core_type<sc_vector_subcore>, window_params = [{transform_indices = #map}, {transform_indices = #map1}, {transform_indices = #map1}]} {
    %mul3A = arith.constant 1 : i32
    %mul3A_0 = arith.muli %arg1, %mul3A : i32
    %add3A = arith.addi %mul3A_0, %arg0 : i32
    %mul3A_1 = arith.constant 256 : i32
    %mul3A_2 = arith.muli %add3A, %mul3A_1 : i32
    "tpu.region"() ({
      %run_scoped3A = tpu.sem_alloc : memref<!tpu.dma_semaphore, #tpu.memory_space<semaphore_mem>>
      %dma_start3A_7 = tpu.memref_slice %arg2[%mul3A_2] : memref<4096xi32, #tpu.memory_space<hbm>> -> memref<256xi32, #tpu.memory_space<hbm>>
      %dma_start3A_8 = tpu.memref_slice %arg2[%mul3A_2] : memref<4096xi32, #tpu.memory_space<hbm>> -> memref<256xi32, #tpu.memory_space<hbm>>
      tpu.enqueue_dma source(%dma_start3A_8 : memref<256xi32, #tpu.memory_space<hbm>>) target(%arg5 : memref<256xi32, #tpu.memory_space<vmem>>) target_semaphore(%run_scoped3A : memref<!tpu.dma_semaphore, #tpu.memory_space<semaphore_mem>>)
      %dma_wait3A_9 = tpu.memref_slice %arg2[%mul3A_2] : memref<4096xi32, #tpu.memory_space<hbm>> -> memref<256xi32, #tpu.memory_space<hbm>>
      %dma_wait3A_10 = tpu.memref_slice %arg2[%mul3A_2] : memref<4096xi32, #tpu.memory_space<hbm>> -> memref<256xi32, #tpu.memory_space<hbm>>
      tpu.wait_dma2 semaphore(%run_scoped3A : memref<!tpu.dma_semaphore, #tpu.memory_space<semaphore_mem>>) src(%dma_wait3A_10 : memref<256xi32, #tpu.memory_space<hbm>>) dst(%arg5 : memref<256xi32, #tpu.memory_space<vmem>>)
      tpu.yield
    }) : () -> ()
    %dma_start3A = arith.constant 0 : i32
    %dma_start3A_3 = arith.constant 0 : i32
    %dma_start3A_4 = tpu.memref_slice %arg3[%dma_start3A, %dma_start3A_3] : memref<64x128xf32, #tpu.memory_space<hbm>> -> memref<64x128xf32, #tpu.memory_space<hbm>>
    tpu.enqueue_indirect_dma source(%dma_start3A_4 : memref<64x128xf32, #tpu.memory_space<hbm>>) target(%arg6 : memref<256x128xf32, #tpu.memory_space<vmem>>) offsets(%arg5 : memref<256xi32, #tpu.memory_space<vmem>>) semaphore(%arg7 : memref<!tpu.dma_semaphore, #tpu.memory_space<semaphore_mem>>)
    %dma_wait3A = arith.constant 0 : i32
    %dma_wait3A_5 = arith.constant 0 : i32
    %dma_wait3A_6 = tpu.memref_slice %arg3[%dma_wait3A, %dma_wait3A_5] : memref<64x128xf32, #tpu.memory_space<hbm>> -> memref<64x128xf32, #tpu.memory_space<hbm>>
    tpu.wait_indirect_dma semaphore(%arg7 : memref<!tpu.dma_semaphore, #tpu.memory_space<semaphore_mem>>) src(%dma_wait3A_6 : memref<64x128xf32, #tpu.memory_space<hbm>>) dst(%arg6 : memref<256x128xf32, #tpu.memory_space<vmem>>)
    "tpu.region"() ({
      %run_scoped3A = tpu.sem_alloc : memref<!tpu.dma_semaphore, #tpu.memory_space<semaphore_mem>>
      %dma_start3A_7 = arith.constant 0 : i32
      %dma_start3A_8 = tpu.memref_slice %arg4[%mul3A_2, %dma_start3A_7] : memref<4096x128xf32, #tpu.memory_space<hbm>> -> memref<256x128xf32, #tpu.memory_space<hbm>>
      %dma_start3A_9 = arith.constant 0 : i32
      %dma_start3A_10 = tpu.memref_slice %arg4[%mul3A_2, %dma_start3A_9] : memref<4096x128xf32, #tpu.memory_space<hbm>> -> memref<256x128xf32, #tpu.memory_space<hbm>>
      tpu.enqueue_dma source(%arg6 : memref<256x128xf32, #tpu.memory_space<vmem>>) target(%dma_start3A_10 : memref<256x128xf32, #tpu.memory_space<hbm>>) target_semaphore(%run_scoped3A : memref<!tpu.dma_semaphore, #tpu.memory_space<semaphore_mem>>)
      %dma_wait3A_11 = arith.constant 0 : i32
      %dma_wait3A_12 = tpu.memref_slice %arg4[%mul3A_2, %dma_wait3A_11] : memref<4096x128xf32, #tpu.memory_space<hbm>> -> memref<256x128xf32, #tpu.memory_space<hbm>>
      %dma_wait3A_13 = arith.constant 0 : i32
      %dma_wait3A_14 = tpu.memref_slice %arg4[%mul3A_2, %dma_wait3A_13] : memref<4096x128xf32, #tpu.memory_space<hbm>> -> memref<256x128xf32, #tpu.memory_space<hbm>>
      tpu.wait_dma2 semaphore(%run_scoped3A : memref<!tpu.dma_semaphore, #tpu.memory_space<semaphore_mem>>) src(%arg6 : memref<256x128xf32, #tpu.memory_space<vmem>>) dst(%dma_wait3A_14 : memref<256x128xf32, #tpu.memory_space<hbm>>)
      tpu.yield
    }) : () -> ()
    return
  }
}

module attributes {stable_mosaic.version = 14 : i64} {
  func.func @_enc_body(%arg0: i32, %arg1: memref<1024x2048xf32, #tpu.memory_space<vmem>>, %arg2: memref<2048x256xbf16, #tpu.memory_space<vmem>>, %arg3: memref<1x256xf32, #tpu.memory_space<vmem>>, %arg4: memref<1024x256xbf16, #tpu.memory_space<vmem>>) attributes {dimension_semantics = [#tpu.dimension_semantics<arbitrary>], iteration_bounds = array<i64: 4>, scalar_prefetch = 0 : i64, scratch_operands = 0 : i64, tpu.core_type = #tpu.core_type<tc>, window_params = [{transform_indices = @transform_0, window_bounds = array<i64: 1024, 2048>}, {pipeline_mode = #tpu.pipeline_mode<synchronous>, transform_indices = @transform_1, window_bounds = array<i64: 2048, 256>}, {pipeline_mode = #tpu.pipeline_mode<synchronous>, transform_indices = @transform_2, window_bounds = array<i64: 1, 256>}, {transform_indices = @transform_3, window_bounds = array<i64: 1024, 256>}]} {
    %get3A = arith.constant 0 : index
    %get3A_0 = arith.constant 0 : index
    %get3A_1 = vector.load %arg1[%get3A, %get3A_0] : memref<1024x2048xf32, #tpu.memory_space<vmem>>, vector<1024x2048xf32>
    %convert_element_type3A = arith.truncf %get3A_1 : vector<1024x2048xf32> to vector<1024x2048xbf16>
    %get3A_2 = arith.constant 0 : index
    %get3A_3 = arith.constant 0 : index
    %get3A_4 = vector.load %arg2[%get3A_2, %get3A_3] : memref<2048x256xbf16, #tpu.memory_space<vmem>>, vector<2048x256xbf16>
    %dot_general3A = arith.constant dense<0.000000e+00> : vector<1024x256xf32>
    %dot_general3A_5 = tpu.matmul %convert_element_type3A, %get3A_4, %dot_general3A {dimension_numbers = #tpu.dot_dimension_numbers<[1], [0], [0], [1], [0, 0, 1, 1], [], []>, transpose_lhs_hint = false} : vector<1024x2048xbf16>, vector<2048x256xbf16>, vector<1024x256xf32> -> vector<1024x256xf32>
    %get3A_6 = arith.constant 0 : index
    %get3A_7 = arith.constant 0 : index
    %get3A_8 = vector.load %arg3[%get3A_6, %get3A_7] : memref<1x256xf32, #tpu.memory_space<vmem>>, vector<1x256xf32>
    %add3A = vector.broadcast %get3A_8 : vector<1x256xf32> to vector<1024x256xf32>
    %add3A_9 = arith.addf %dot_general3A_5, %add3A : vector<1024x256xf32>
    %max3A = arith.constant 0.000000e+00 : f32
    %max3A_10 = vector.broadcast %max3A : f32 to vector<1024x256xf32>
    %max3A_11 = arith.maximumf %add3A_9, %max3A_10 : vector<1024x256xf32>
    %convert_element_type3A_12 = arith.truncf %max3A_11 : vector<1024x256xf32> to vector<1024x256xbf16>
    %swap3A = arith.constant 0 : index
    %swap3A_13 = arith.constant 0 : index
    %swap3A_14 = vector.load %arg4[%swap3A, %swap3A_13] : memref<1024x256xbf16, #tpu.memory_space<vmem>>, vector<1024x256xbf16>
    tpu.vector_store %arg4[%swap3A, %swap3A_13], %convert_element_type3A_12 {strides = array<i32>} : memref<1024x256xbf16, #tpu.memory_space<vmem>>, vector<1024x256xbf16>,
    return
  }
  func.func @transform_0(%arg0: i32) -> (i32, i32) {
    %c0_i32 = arith.constant 0 : i32
    %c0_i32_0 = arith.constant 0 : i32
    return %arg0, %c0_i32 : i32, i32
  }
  func.func @transform_1(%arg0: i32) -> (i32, i32) {
    %c0_i32 = arith.constant 0 : i32
    %c0_i32_0 = arith.constant 0 : i32
    %c0_i32_1 = arith.constant 0 : i32
    return %c0_i32, %c0_i32_0 : i32, i32
  }
  func.func @transform_2(%arg0: i32) -> (i32, i32) {
    %c0_i32 = arith.constant 0 : i32
    %c0_i32_0 = arith.constant 0 : i32
    %c0_i32_1 = arith.constant 0 : i32
    return %c0_i32, %c0_i32_0 : i32, i32
  }
  func.func @transform_3(%arg0: i32) -> (i32, i32) {
    %c0_i32 = arith.constant 0 : i32
    %c0_i32_0 = arith.constant 0 : i32
    return %arg0, %c0_i32 : i32, i32
  }
}

module attributes {stable_mosaic.version = 14 : i64} {
  func.func @_route_body(%arg0: i32, %arg1: memref<512x256xbf16, #tpu.memory_space<vmem>>, %arg2: memref<512x1xi32, #tpu.memory_space<vmem>>, %arg3: memref<256x2048xbf16, #tpu.memory_space<vmem>>, %arg4: memref<1x2048xf32, #tpu.memory_space<vmem>>, %arg5: memref<512x128xf32, #tpu.memory_space<vmem>>, %arg6: memref<64x1xf32, #tpu.memory_space<vmem>>, %arg7: memref<512xf32, #tpu.memory_space<vmem>>) attributes {dimension_semantics = [#tpu.dimension_semantics<arbitrary>], iteration_bounds = array<i64: 8>, scalar_prefetch = 0 : i64, scratch_operands = 0 : i64, tpu.core_type = #tpu.core_type<tc>, window_params = [{transform_indices = @transform_0, window_bounds = array<i64: 512, 256>}, {transform_indices = @transform_1, window_bounds = array<i64: 512, 1>}, {pipeline_mode = #tpu.pipeline_mode<synchronous>, transform_indices = @transform_2, window_bounds = array<i64: 256, 2048>}, {pipeline_mode = #tpu.pipeline_mode<synchronous>, transform_indices = @transform_3, window_bounds = array<i64: 1, 2048>}, {transform_indices = @transform_4, window_bounds = array<i64: 512, 128>}, {pipeline_mode = #tpu.pipeline_mode<synchronous>, transform_indices = @transform_5, window_bounds = array<i64: 64, 1>}, {transform_indices = @transform_6, window_bounds = array<i64: 512>}]} {
    %get3A = arith.constant 0 : index
    %get3A_0 = arith.constant 0 : index
    %get3A_1 = vector.load %arg1[%get3A, %get3A_0] : memref<512x256xbf16, #tpu.memory_space<vmem>>, vector<512x256xbf16>
    %get3A_2 = arith.constant 0 : index
    %get3A_3 = arith.constant 0 : index
    %get3A_4 = vector.load %arg3[%get3A_2, %get3A_3] : memref<256x2048xbf16, #tpu.memory_space<vmem>>, vector<256x2048xbf16>
    %dot_general3A = arith.constant dense<0.000000e+00> : vector<512x2048xf32>
    %dot_general3A_5 = tpu.matmul %get3A_1, %get3A_4, %dot_general3A {dimension_numbers = #tpu.dot_dimension_numbers<[1], [0], [0], [1], [0, 0, 1, 1], [], []>, transpose_lhs_hint = false} : vector<512x256xbf16>, vector<256x2048xbf16>, vector<512x2048xf32> -> vector<512x2048xf32>
    %get3A_6 = arith.constant 0 : index
    %get3A_7 = arith.constant 0 : index
    %get3A_8 = vector.load %arg4[%get3A_6, %get3A_7] : memref<1x2048xf32, #tpu.memory_space<vmem>>, vector<1x2048xf32>
    %add3A = vector.broadcast %get3A_8 : vector<1x2048xf32> to vector<512x2048xf32>
    %add3A_9 = arith.addf %dot_general3A_5, %add3A : vector<512x2048xf32>
    %max3A = arith.constant 0.000000e+00 : f32
    %max3A_10 = vector.broadcast %max3A : f32 to vector<512x2048xf32>
    %max3A_11 = arith.maximumf %add3A_9, %max3A_10 : vector<512x2048xf32>
    %get3A_12 = arith.constant 0 : index
    %get3A_13 = arith.constant 0 : index
    %get3A_14 = vector.load %arg2[%get3A_12, %get3A_13] : memref<512x1xi32, #tpu.memory_space<vmem>>, vector<512x1xi32>
    %jit3A = arith.constant 16 : i32
    %eq3A = arith.constant 0 : i32
    %eq3A_15 = arith.cmpi eq, %jit3A, %eq3A : i32
    %jit3A_16 = arith.constant 1 : i32
    %select_n3A = arith.select %eq3A_15, %jit3A_16, %jit3A : i32
    %rem3A = vector.broadcast %select_n3A : i32 to vector<512x1xi32>
    %rem3A_17 = arith.remsi %get3A_14, %rem3A : vector<512x1xi32>
    %ne3A = arith.constant 0 : i32
    %ne3A_18 = vector.broadcast %ne3A : i32 to vector<512x1xi32>
    %ne3A_19 = arith.cmpi ne, %rem3A_17, %ne3A_18 : vector<512x1xi32>
    %lt3A = arith.constant 0 : i32
    %lt3A_20 = vector.broadcast %lt3A : i32 to vector<512x1xi32>
    %lt3A_21 = arith.cmpi slt, %rem3A_17, %lt3A_20 : vector<512x1xi32>
    %lt3A_22 = arith.constant 0 : i32
    %lt3A_23 = arith.cmpi slt, %select_n3A, %lt3A_22 : i32
    %ne3A_24 = vector.broadcast %lt3A_23 : i1 to vector<512x1xi1>
    %ne3A_25 = vector.broadcast %ne3A_24 : vector<512x1xi1> to vector<512x1xi1>
    %ne3A_26 = arith.xori %lt3A_21, %ne3A_25 : vector<512x1xi1>
    %and3A = arith.andi %ne3A_26, %ne3A_19 : vector<512x1xi1>
    %add3A_27 = vector.broadcast %select_n3A : i32 to vector<512x1xi32>
    %add3A_28 = arith.addi %rem3A_17, %add3A_27 : vector<512x1xi32>
    %select_n3A_29 = arith.select %and3A, %add3A_28, %rem3A_17 : vector<512x1xi1>, vector<512x1xi32>
    %iota3A = tpu.iota {dimensions = array<i32: 1>} : vector<512x64xi32>
    %eq3A_30 = vector.broadcast %get3A_14 : vector<512x1xi32> to vector<512x64xi32>
    %eq3A_31 = arith.cmpi eq, %eq3A_30, %iota3A : vector<512x64xi32>
    %convert_element_type3A = arith.extui %eq3A_31 : vector<512x64xi1> to vector<512x64xi32>
    %convert_element_type3A_32 = arith.sitofp %convert_element_type3A : vector<512x64xi32> to vector<512x64xf32>
    %get3A_33 = arith.constant 0 : index
    %get3A_34 = arith.constant 0 : index
    %get3A_35 = vector.load %arg6[%get3A_33, %get3A_34] : memref<64x1xf32, #tpu.memory_space<vmem>>, vector<64x1xf32>
    %dot_general3A_36 = arith.constant dense<0.000000e+00> : vector<512x1xf32>
    %dot_general3A_37 = tpu.matmul %convert_element_type3A_32, %get3A_35, %dot_general3A_36 {dimension_numbers = #tpu.dot_dimension_numbers<[1], [0], [0], [1], [0, 0, 1, 1], [], []>, transpose_lhs_hint = false} : vector<512x64xf32>, vector<64x1xf32>, vector<512x1xf32> -> vector<512x1xf32>
    %iota3A_38 = tpu.iota {dimensions = array<i32: 1>} : vector<512x2048xi32>
    %jit3A_39 = arith.constant 128 : i32
    %div3A = vector.broadcast %jit3A_39 : i32 to vector<512x2048xi32>
    %div3A_40 = arith.divsi %iota3A_38, %div3A : vector<512x2048xi32>
    %sign3A = arith.constant 0 : i32
    %sign3A_41 = vector.broadcast %sign3A : i32 to vector<512x2048xi32>
    %sign3A_42 = arith.cmpi sgt, %iota3A_38, %sign3A_41 : vector<512x2048xi32>
    %sign3A_43 = arith.extui %sign3A_42 : vector<512x2048xi1> to vector<512x2048xi32>
    %sign3A_44 = arith.constant 0 : i32
    %sign3A_45 = vector.broadcast %sign3A_44 : i32 to vector<512x2048xi32>
    %sign3A_46 = arith.cmpi slt, %iota3A_38, %sign3A_45 : vector<512x2048xi32>
    %sign3A_47 = arith.extui %sign3A_46 : vector<512x2048xi1> to vector<512x2048xi32>
    %sign3A_48 = arith.subi %sign3A_43, %sign3A_47 : vector<512x2048xi32>
    %sign3A_49 = arith.constant 0 : i32
    %sign3A_50 = arith.cmpi sgt, %jit3A_39, %sign3A_49 : i32
    %sign3A_51 = arith.extui %sign3A_50 : i1 to i32
    %sign3A_52 = arith.constant 0 : i32
    %sign3A_53 = arith.cmpi slt, %jit3A_39, %sign3A_52 : i32
    %sign3A_54 = arith.extui %sign3A_53 : i1 to i32
    %sign3A_55 = arith.subi %sign3A_51, %sign3A_54 : i32
    %ne3A_56 = vector.broadcast %sign3A_55 : i32 to vector<512x2048xi32>
    %ne3A_57 = arith.cmpi ne, %sign3A_48, %ne3A_56 : vector<512x2048xi32>
    %rem3A_58 = vector.broadcast %jit3A_39 : i32 to vector<512x2048xi32>
    %rem3A_59 = arith.remsi %iota3A_38, %rem3A_58 : vector<512x2048xi32>
    %ne3A_60 = arith.constant 0 : i32
    %ne3A_61 = vector.broadcast %ne3A_60 : i32 to vector<512x2048xi32>
    %ne3A_62 = arith.cmpi ne, %rem3A_59, %ne3A_61 : vector<512x2048xi32>
    %and3A_63 = arith.andi %ne3A_57, %ne3A_62 : vector<512x2048xi1>
    %sub3A = arith.constant 1 : i32
    %sub3A_64 = vector.broadcast %sub3A : i32 to vector<512x2048xi32>
    %sub3A_65 = arith.subi %div3A_40, %sub3A_64 : vector<512x2048xi32>
    %select_n3A_66 = arith.select %and3A_63, %sub3A_65, %div3A_40 : vector<512x2048xi1>, vector<512x2048xi32>
    %get3A_67 = arith.constant 0 : index
    %get3A_68 = arith.constant 0 : index
    %get3A_69 = vector.load %arg5[%get3A_67, %get3A_68] : memref<512x128xf32, #tpu.memory_space<vmem>>, vector<512x128xf32>
    %concatenate3A = tpu.concatenate %get3A_69, %get3A_69, %get3A_69, %get3A_69, %get3A_69, %get3A_69, %get3A_69, %get3A_69, %get3A_69, %get3A_69, %get3A_69, %get3A_69, %get3A_69, %get3A_69, %get3A_69, %get3A_69 in 1 : vector<512x128xf32>, vector<512x128xf32>, vector<512x128xf32>, vector<512x128xf32>, vector<512x128xf32>, vector<512x128xf32>, vector<512x128xf32>, vector<512x128xf32>, vector<512x128xf32>, vector<512x128xf32>, vector<512x128xf32>, vector<512x128xf32>, vector<512x128xf32>, vector<512x128xf32>, vector<512x128xf32>, vector<512x128xf32> -> vector<512x2048xf32>
    %eq3A_70 = vector.broadcast %select_n3A_29 : vector<512x1xi32> to vector<512x2048xi32>
    %eq3A_71 = arith.cmpi eq, %select_n3A_66, %eq3A_70 : vector<512x2048xi32>
    %jit3A_72 = arith.constant 0.000000e+00 : f32
    %broadcast_in_dim3A = vector.broadcast %jit3A_72 : f32 to vector<512x2048xf32>
    %select_n3A_73 = arith.select %eq3A_71, %concatenate3A, %broadcast_in_dim3A : vector<512x2048xi1>, vector<512x2048xf32>
    %mul3A = arith.mulf %max3A_11, %select_n3A_73 : vector<512x2048xf32>
    %reduce_sum3A = arith.constant dense<0.000000e+00> : vector<512xf32>
    %reduce_sum3A_74 = vector.multi_reduction <add>, %mul3A, %reduce_sum3A [1] : vector<512x2048xf32> to vector<512xf32>
    %broadcast_in_dim3A_75 = vector.shape_cast %reduce_sum3A_74 : vector<512xf32> to vector<512x1xf32>
    %add3A_76 = arith.addf %broadcast_in_dim3A_75, %dot_general3A_37 : vector<512x1xf32>
    %reshape3A = vector.shape_cast %add3A_76 : vector<512x1xf32> to vector<512xf32>
    %swap3A = arith.constant 0 : index
    %swap3A_77 = vector.load %arg7[%swap3A] : memref<512xf32, #tpu.memory_space<vmem>>, vector<512xf32>
    tpu.vector_store %arg7[%swap3A], %reshape3A {strides = array<i32>} : memref<512xf32, #tpu.memory_space<vmem>>, vector<512xf32>,
    return
  }
  func.func @transform_0(%arg0: i32) -> (i32, i32) {
    %c0_i32 = arith.constant 0 : i32
    %c0_i32_0 = arith.constant 0 : i32
    return %arg0, %c0_i32 : i32, i32
  }
  func.func @transform_1(%arg0: i32) -> (i32, i32) {
    %c0_i32 = arith.constant 0 : i32
    %c0_i32_0 = arith.constant 0 : i32
    return %arg0, %c0_i32 : i32, i32
  }
  func.func @transform_2(%arg0: i32) -> (i32, i32) {
    %c0_i32 = arith.constant 0 : i32
    %c0_i32_0 = arith.constant 0 : i32
    %c0_i32_1 = arith.constant 0 : i32
    return %c0_i32, %c0_i32_0 : i32, i32
  }
  func.func @transform_3(%arg0: i32) -> (i32, i32) {
    %c0_i32 = arith.constant 0 : i32
    %c0_i32_0 = arith.constant 0 : i32
    %c0_i32_1 = arith.constant 0 : i32
    return %c0_i32, %c0_i32_0 : i32, i32
  }
  func.func @transform_4(%arg0: i32) -> (i32, i32) {
    %c0_i32 = arith.constant 0 : i32
    %c0_i32_0 = arith.constant 0 : i32
    return %arg0, %c0_i32 : i32, i32
  }
  func.func @transform_5(%arg0: i32) -> (i32, i32) {
    %c0_i32 = arith.constant 0 : i32
    %c0_i32_0 = arith.constant 0 : i32
    %c0_i32_1 = arith.constant 0 : i32
    return %c0_i32, %c0_i32_0 : i32, i32
  }
  func.func @transform_6(%arg0: i32) -> i32 {
    %c0_i32 = arith.constant 0 : i32
    return %arg0 : i32
  }
}

</mosaic_0001>

<sc_bundles>
// kernel: kernel.5.cloned.1.call-start
scs
__scs_entry_jumppad:
0x0: {  	(pc) =	sbr.rel $0x88, $3  }
0x1: {  	(tag) =	ssettag $0x0;
	lr =	simm.s32 $0x1  }
0x2: {  	[smem:$0x3F99] =	sst lr;
	_ =	strace $0xD0000000  }
0x3: {  	_ = 	snop  }
0x4: {  	_ = 	snop  }
0x5: {  	_ = 	snop  }
0x6: {  	_ = 	snop  }
0x7: {  	_ = 	snop  }
__scs_overlays_trampoline_lowered:
0x8: {  	[smem:$0x3FA8] =	sst s0  }
0x9: {  	[smem:$0x3FA9] =	sst s1  }
0xa: {  	[smem:$0x3FAA] =	sst s2  }
0xb: {  	[smem:$0x3FAB] =	sst s3  }
0xc: {  	[smem:$0x3FAC] =	sst s4  }
0xd: {  	[smem:$0x3FAD] =	sst s5  }
0xe: {  	[smem:$0x3FAE] =	sst s6  }
0xf: {  	[smem:$0x3FAF] =	sst s7  }
0x10: {  	[smem:$0x3FB0] =	sst s8  }
0x11: {  	[smem:$0x3FB1] =	sst s9;
	s0 =	simm.s32 @!p0 $0x0  }
0x12: {  	s1 =	sld [smem:$0x3F97];
	s0 =	simm.s32 @p0 $0x1  }
0x13: {  	[smem:$0x3FB2] =	sst s0;
	s0 =	simm.s32 @!p1 $0x0  }
0x14: {  	s2 =	sld [smem:$0x3F96];
	s0 =	simm.s32 @p1 $0x1  }
0x15: {  	[smem:$0x3FB3] =	sst s0;
	s0 =	simm.s32 @!p2 $0x0  }
0x16: {  	s3 =	sld [smem:$0x3FDB];
	s0 =	simm.s32 @p2 $0x1  }
0x17: {  	s4 =	simm.s32 $0x1BF5;
	[smem:$0x3FB5] =	sst s0  }
0x18: {  	s0 =	sld [smem:$0x3F98];
	_ =	swait.ge [sflag:s4], $0x0  }
0x19: {  	s7 =	sld [smem:$0x3F99]  }
0x1a: {  	s8 =	sadd.s32 $0xFFFFE003, lr  }
0x1b: {  	s9 =	sadd.s32 $0xFFFFFEF7, lr;
	s5 =	simm.s32 $0xFFFFFFFF;
	p2 =	slt.u32 s8, $0xFFFFF086  }
0x1c: {  	p1 =	slt.u32 s9, $0xF7A;
	s5 =	simm.s32 @!p2 $0x0  }
0x1d: {  	s5 =	simm.s32 @p1 $0x1;
	p0 =	seq.s32 s7, s2  }
0x1e: {  	s7 =	smul.u32 @!p0 $0xF7A, s2;
	p2 =	seq.s32 @!p0 s5, $0x0  }
0x1f: {  	s9 =	smul.u32 $0xF7A, s1;
	s8 =	simm.s32 @!p0 $0x1BF5;
	p2 =	por !p2, p0  }
0x20: {  	[sflag:s8] =	ssyncset.s32 @!p0 $0xFFFFF086;
	s6 =	sadd.s32 @!p0 s3, s7;
	s7 =	simm.s32 @!p0 $0x108  }
0x21: {  	s3 =	sadd.s32 s3, s9;
	s6 =	sadd.s32 @!p0 $0x88, s6;
	s7 =	simm.s32 @p2 $0x1082  }
0x22: {  	[simem:s7], [sflag:s8] =	dma.local @!p0 [hbm:s6], $0xF7A  }
0x23: {  	s9 =	sor.u32 $0xD0000000, s2;
	s6 =	simm.s32 $0x108;
	_ =	swait.ge @!p0 [sflag:s8], $0x0  }
0x24: {  	s3 =	sadd.s32 $0x88, s3;
	s6 =	simm.s32 @!p1 $0x1082;
	[sflag:s4] =	ssyncset.s32 $0xFFFFF086  }
0x25: {  	[simem:s6], [sflag:s4] =	dma.local [hbm:s3], $0xF7A  }
0x26: {  	[smem:$0x3F99] =	sst s1;
	(tag) =	ssettag s2;
	_ =	strace s9  }
0x27: {  	s1 =	sld [smem:$0x3FA9]  }
0x28: {  	s2 =	sld [smem:$0x3FAA]  }
0x29: {  	s4 =	sld [smem:$0x3FAC]  }
0x2a: {  	p0 =	seq.s32 s5, $0x0;
	s5 =	sld [smem:$0x3FAD]  }
0x2b: {  	s6 =	sld [smem:$0x3FAE]  }
0x2c: {  	s7 =	sld [smem:$0x3FAF]  }
0x2d: {  	s3 =	simm.s32 $0x108;
	s8 =	sld [smem:$0x3FB0]  }
0x2e: {  	s3 =	simm.s32 @!p0 $0x1082;
	s9 =	sld [smem:$0x3FB1]  }
0x2f: {  	lr =	sadd.s32 s0, s3;
	s0 =	sld [smem:$0x3FA8]  }
0x30: {  	s3 =	sld [smem:$0x3FAB]  }
0x31: {  	[smem:$0x3FB4] =	sst s10  }
0x32: {  	s10 =	sld [smem:$0x3FB2];
	_ =	sdelay $0x3  }
0x33: {  	p0 =	seq.s32 s10, $0x1;
	s10 =	sld [smem:$0x3FB4];
	_ =	sdelay $0x3  }
0x34: {  	[smem:$0x3FB4] =	sst s10  }
0x35: {  	s10 =	sld [smem:$0x3FB3];
	_ =	sdelay $0x3  }
0x36: {  	p1 =	seq.s32 s10, $0x1;
	s10 =	sld [smem:$0x3FB4];
	_ =	sdelay $0x3  }
0x37: {  	[smem:$0x3FB4] =	sst s10  }
0x38: {  	s10 =	sld [smem:$0x3FB5]  }
0x39: {  	_ = 	snop;
	(pc) =	sbr.ind lr, $3  }
0x3a: {  	_ = 	snop  }
0x3b: {  	_ = 	snop  }
0x3c: {  	p2 =	seq.s32 s10, $0x1;
	s10 =	sld [smem:$0x3FB4]  }
0x3d: {  	_ =	shalt  }
0x3e: {  	_ =	shalt  }
0x3f: {  	_ =	shalt  }
0x40: {  	_ =	shalt  }
0x41: {  	_ =	shalt  }
0x42: {  	_ =	shalt  }
0x43: {  	_ =	shalt  }
0x44: {  	_ =	shalt  }
0x45: {  	_ =	shalt  }
0x46: {  	_ =	shalt  }
0x47: {  	_ =	shalt  }
0x48: {  	_ =	shalt  }
0x49: {  	_ =	shalt  }
0x4a: {  	_ =	shalt  }
0x4b: {  	_ =	shalt  }
0x4c: {  	_ =	shalt  }
0x4d: {  	_ =	shalt  }
0x4e: {  	_ =	shalt  }
0x4f: {  	_ =	shalt  }
0x50: {  	_ =	shalt  }
0x51: {  	_ =	shalt  }
0x52: {  	_ =	shalt  }
0x53: {  	_ =	shalt  }
0x54: {  	_ =	shalt  }
0x55: {  	_ =	shalt  }
0x56: {  	_ =	shalt  }
0x57: {  	_ =	shalt  }
0x58: {  	_ =	shalt  }
0x59: {  	_ =	shalt  }
0x5a: {  	_ =	shalt  }
0x5b: {  	_ =	shalt  }
0x5c: {  	_ =	shalt  }
0x5d: {  	_ =	shalt  }
0x5e: {  	_ =	shalt  }
0x5f: {  	_ =	shalt  }
0x60: {  	_ =	shalt  }
0x61: {  	_ =	shalt  }
0x62: {  	_ =	shalt  }
0x63: {  	_ =	shalt  }
0x64: {  	_ =	shalt  }
0x65: {  	_ =	shalt  }
0x66: {  	_ =	shalt  }
0x67: {  	_ =	shalt  }
0x68: {  	_ =	shalt  }
0x69: {  	_ =	shalt  }
0x6a: {  	_ =	shalt  }
0x6b: {  	_ =	shalt  }
0x6c: {  	_ =	shalt  }
0x6d: {  	_ =	shalt  }
0x6e: {  	_ =	shalt  }
0x6f: {  	_ =	shalt  }
0x70: {  	_ =	shalt  }
0x71: {  	_ =	shalt  }
0x72: {  	_ =	shalt  }
0x73: {  	_ =	shalt  }
0x74: {  	_ =	shalt  }
0x75: {  	_ =	shalt  }
0x76: {  	_ =	shalt  }
0x77: {  	_ =	shalt  }
0x78: {  	_ =	shalt  }
0x79: {  	_ =	shalt  }
0x7a: {  	_ =	shalt  }
0x7b: {  	_ =	shalt  }
0x7c: {  	_ =	shalt  }
0x7d: {  	_ =	shalt  }
0x7e: {  	_ =	shalt  }
0x7f: {  	_ =	shalt  }
0x80: {  	_ =	shalt  }
0x81: {  	_ =	shalt  }
0x82: {  	_ =	shalt  }
0x83: {  	_ =	shalt  }
0x84: {  	_ =	shalt  }
0x85: {  	_ =	shalt  }
0x86: {  	_ =	shalt  }
0x87: {  	_ =	shalt  }
.Lfunc_end0:
.L_simem_size_0:
called_computation_lowered:
.L_overlay_start_0:
0x88: {  	s0 =	sld [smem:$0x3FD9]  }
0x89: {  	s1 =	sld [smem:$0x3FFE];
	_ =	sdelay $0x3  }
0x8a: {  	s0 =	sadd.s32 s1, s0  }
0x8b: {  	[smem:$0x3FC0] =	sst s0  }
0x8c: {  	_ = 	snop  }
0x8d: {  	s0 =	sld [smem:$0x3FC8]  }
0x8e: {  	s16 =	sld [smem:$0x3FC3];
	(tm) =	ssettm $0x1  }
0x8f: {  	s2 =	sld [smem:$0x3FFB];
	_ =	sdelay $0x3  }
0x90: {  	_ =	strace s2  }
0x91: {  	s2 =	sld [smem:$0x3FFC];
	_ =	sdelay $0x3  }
0x92: {  	_ =	strace s2  }
0x93: {  	s2 =	sld [smem:$0x3FFD];
	_ =	sdelay $0x3  }
0x94: {  	_ =	strace s2  }
0x95: {  	_ =	strace $0x8FFFFFFF  }
0x96: {  	s17 =	sld [smem:$0x3FDB];
	_ =	sdelay $0x1  }
0x97: {  	s3 =	simm.s32 $_scs_section_size  }
0x98: {  	s4 =	simm.s32 $_size__tile_overlayer_lowered;
	s5 =	simm.s32 $_tile_overlayer_lowered  }
0x99: {  	s20 =	simm.s32 $0x1BFF;
	s19 =	sshll.u32 s5, $0x1;
	s2 =	sadd.s32 s3, s17  }
0x9a: {  	s6 =	simm.s32 $0x0;
	s18 =	sshll.u32 s4, $0x1;
	s4 =	sadd.s32 s19, s2  }
0x9b: {  	[timem:s6], [sflag:s20] =	dma.local [hbm:s4], s18  }
0x9c: {  	_ =	swait.ge [sflag:s20], s18  }
0x9d: {  	s3 =	ssub.s32 $0x0, s18;
	[sflag:s20] =	ssyncset.done $0x0  }
0x9e: {  	[sflag:s20] =	ssyncadd.s32 s3;
	_ =	sdelay $0x1  }
0x9f: {  	s21 =	simm.s32 $0x1B8B  }
0xa0: {  	_ =	swait.ge [sflag:s21], $0x1  }
0xa1: {  	[sflag:s21] =	ssyncset.done $0x0  }
0xa2: {  	s23 =	simm.s32 $0x1B8E;
	s22 =	sld [smem:$0x3FFE];
	[sflag:s21] =	ssyncadd.s32 $0xFFFFFFFF  }
0xa3: {  	s24 =	simm.s32 $execute0_lowered;
	[smem:$0x3FD2] =	sst s23  }
0xa4: {  	s4 =	sshll.u32 s24, $0x1;
	_ =	strace $0x80000046;
	[dreg:$0x1] =	wrdreg $0xFFFFFFFF  }
0xa5: {  	s25 =	simm.s32 $_size_execute0_lowered;
	s2 =	sadd.s32 s2, s4;
	[dreg:$0x0] =	wrdreg $0x0  }
0xa6: {  	s4 =	sshll.u32 s25, $0x1;
	[dreg:$0x2] =	wrdreg s2  }
0xa7: {  	[dreg:$0x3] =	wrdreg s4  }
0xa8: {  	[dreg:$0x4] =	wrdreg $0xC0  }
0xa9: {  	_ =	task [dreg:s6], $0x5FFFF  }
0xaa: {  	[dreg:$0x1] =	wrdreg $0xFFFFFFFF  }
0xab: {  	[dreg:$0x0] =	wrdreg $0x60  }
0xac: {  	[dreg:$0x2] =	wrdreg s0  }
0xad: {  	[dreg:$0x3] =	wrdreg s16  }
0xae: {  	[dreg:$0x4] =	wrdreg s22  }
0xaf: {  	[dreg:$0x5] =	wrdreg $0x9  }
0xb0: {  	_ =	task.clear_ibuf [dreg:s6], $0x6FFFF;
	_ =	strace $0x90000046  }
0xb1: {  	s26 =	simm.s32 $0x9;
	_ =	strace $0x80000048  }
0xb2: {  	_ =	swait.ge [sflag:s26], $0x1  }
0xb3: {  	[sflag:s26] =	ssyncadd.s32 $0xFFFFFFFF  }
0xb4: {  	_ =	strace $0x90000048  }
0xb5: {  	_ =	sfence  }
0xb6: {  	s28 =	sld [smem:$0x0];
	_ =	sdelay $0x1  }
0xb7: {  	s29 =	srdreg.scid  }
0xb8: {  	s30 =	sshll.u32 s29, $0xD;
	s31 =	sshrl.u32 s29, $0x2  }
0xb9: {  	s1 =	sand.u32 $0x1, s29;
	s2 =	sand.u32 $0x4000, s30;
	s0 =	sadd.s32 s31, s28  }
0xba: {  	s1 =	sor.u32 s2, s1;
	s0 =	sshll.u32 s0, $0x11  }
0xbb: {  	s0 =	sor.u32 s0, s1  }
0xbc: {  	s0 =	sadd.s32 $0x8F2B, s0  }
0xbd: {  	[sflag:s0] =	ssyncadd.remote.s32 $0x1  }
0xbe: {  	_ =	sfence.sel $0xFFFF  }
0xbf: {  	[dreg:$0x0] =	wrdreg $0xFFFFFFFF;
	(pc) =	sbr.abs _section_cstart, $3  }
0xc0: {  	[dreg:$0x1] =	wrdreg $0xFFFFFFFF  }
0xc1: {  	_ =	task.clear_ibuf [dreg:s6], $0x2FFFF;
	_ =	strace $0x9FFFFFFF  }
0xc2: {  	(tm) =	ssettm $0x7FFFFFFF  }
0xc3: {  	_ =	shalt  }
tec
execute0_lowered:
.L_overlay_start_1:
0x0: {  	(tag) =	ssettag $0x1  }
0x1: {  	s0 =	rddreg [dreg:$0x0]  }
0x2: {  	s1 =	rddreg [dreg:$0x1]  }
0x3: {  	s2 =	rddreg [dreg:$0x2]  }
0x4: {  	s3 =	rddreg [dreg:$0x3];
	s4 =	simm.s32 $0x0;
	s5 =	stileid.u32  }
0x5: {  	[smem:$0x7FF] =	sst s4;
	s6 =	sshll.u32 s5, $0x5  }
0x6: {  	s29 =	simm.s32 $0x2;
	_ =	strace $0x80000047;
	s0 =	sadd.s32 s0, s6  }
0x7: {  	[tilespmem:s4], [sflag:$0x2] =	stream.linear.gather [hbm4b:s0+s4], $0x100, $0x38;
	[tilespmem:$0x8100] =	vst v63  }
0x8: {  	_ =	swait.ge [sflag:s29], $0x100  }
0x9: {  	[sflag:s29] =	ssyncset.done $0x0  }
0xa: {  	s30 =	simm.s32 $0x100;
	s31 =	simm.s32 $0x1;
	[sflag:s29] =	ssyncadd.s32 $0xFFFFFF00  }
0xb: {  	[tilespmem:s30], [sflag:$0x1] =	stream.indirect.gather [hbm4b:s1+s30], $0x80, s4, s30, $0xb8;
	[tilespmem:$0x8100] =	vst v63  }
0xc: {  	s7 =	sshll.u32 s5, $0xC;
	_ =	swait.ge [sflag:s31], $0x8000  }
0xd: {  	s2 =	sadd.s32 s7, s2;
	[sflag:s31] =	ssyncset.done $0x0  }
0xe: {  	s2 =	sadd.s32 $0x1200, s2;
	[sflag:s31] =	ssyncadd.s32 $0xFFFF8000  }
0xf: {  	[hbm4b:s2+s4] =	stream.linear.scatter [tilespmem:s30], [sflag:$0x2], $0x8000, $0x38;
	[tilespmem:$0x8100] =	vst v63  }
0x10: {  	_ =	swait.ge [sflag:s29], $0x8000  }
0x11: {  	[sflag:s29] =	ssyncset.done $0x0  }
0x12: {  	[sflag:s29] =	ssyncadd.s32 $0xFFFF8000  }
0x13: {  	_ =	sfence.sel $0x180000  }
0x14: {  	[bflag:$0x0] =	sbarrier.arrive $0xFFFF  }
0x15: {  	p0 =	sne.s32 s5, $0x0;
	_ =	strace $0x90000047  }
0x16: {  	s0 =	sadd.s32 @!p0 $0x100000, s3;
	[bflag:$0x2] =	sbarrier.arrive $0xFFFF  }
0x17: {  	[sflag:s0] =	ssyncadd.tile.s32 @!p0 $0x1;
	_ =	shalt  }
.Lfunc_end2:
_tile_overlayer_lowered:
.L_overlay_start_2:
0x18: {  	(tag) =	ssettag $0x2  }
0x19: {  	s0 =	rddreg [dreg:$0x0];
	s2 =	stileid.u32  }
0x1a: {  	s1 =	rddreg [dreg:$0x1];
	p0 =	sne.s32 s2, $0x0  }
0x1b: {  	s3 =	rddreg [dreg:$0x2];
	[bflag:$0x3] =	sbarrier.arrive $0xFFFF;
	s2 =	simm.s32 @!p0 $0x1C02  }
0x1c: {  	[timem:s3], [sflag:s2] =	dma.local @!p0 [hbm:s0], s1  }
0x1d: {  	s0 =	simm.s32 @!p0 $0x2  }
0x1e: {  	_ =	swait.ge @!p0 [sflag:s0], s1  }
0x1f: {  	s1 =	ssub.s32 @!p0 $0x0, s1;
	[sflag:s0] =	ssyncset.done @!p0 $0x0  }
0x20: {  	[sflag:s0] =	ssyncadd.s32 @!p0 s1  }
0x21: {  	[bflag:$0x3] =	sbarrier.arrive $0xFFFF  }
0x22: {  	_ =	shalt  }

</sc_bundles>
